<compile_context>
chip_gen: v7x
topology: tpu7x:2x2x1
jax: 0.10.2.dev20260603
libtpu: 0.0.44.dev20260713+nightly
codegen_flags: <defaults>
</compile_context>

<pallas_src>
import functools

import jax
import jax.numpy as jnp
from jax import lax
from jax.experimental import pallas as pl
from jax.experimental.pallas import tpu as pltpu
from jax.experimental.pallas import tpu_sc as plsc

NUM_TYPES = 100
BATCH = 1024
DUP = 2
NUM_HEADS = 16
LENGTH = 20
HEAD_DIM = 64
ROW = DUP * 1 * NUM_HEADS * LENGTH * HEAD_DIM

NC = 2
NS = 16
NW = NC * NS
B_PER_W = BATCH // NW

P = 1
PIECE = ROW // P
K = B_PER_W * P
Q = 2
L = 1


def _gather_body(table_hbm, eidx_hbm, out_hbm, eidx_v, rows_v, *sems):
    gsem = sems[:Q]
    psem = sems[Q:]
    wid = lax.axis_index("s") * NC + lax.axis_index("c")
    base = wid * K

    pltpu.sync_copy(eidx_hbm.at[pl.ds(base * 8, K * 8 + 16)], eidx_v)

    def gather_cp(k, b):
        row = eidx_v[pl.ds(8 * k, 16)][0]
        return pltpu.make_async_copy(
            table_hbm.at[pl.ds(row, 1)], rows_v.at[b], gsem[b]
        )

    def put_cp(k, b):
        return pltpu.make_async_copy(
            rows_v.at[b], out_hbm.at[pl.ds(base + k, 1)], psem[b]
        )

    for k0 in range(L):
        gather_cp(k0, k0).start()

    for k in range(Q - L):
        gather_cp(k + L, (k + L) % Q).start()
        gather_cp(k, k % Q).wait()
        put_cp(k, k % Q).start()

    def step(i, carry):
        for t in range(Q):
            k = Q * i + (Q - L) + t
            bg = t
            bk = (t + Q - L) % Q
            put_cp(k - (Q - L), bg).wait()
            gather_cp(k + L, bg).start()
            gather_cp(k, bk).wait()
            put_cp(k, bk).start()
        return carry

    lax.fori_loop(0, (K - Q) // Q, step, 0)

    for k in range(K - L, K):
        put_cp(k - (Q - L), (k + L) % Q).wait()
        gather_cp(k, k % Q).wait()
        put_cp(k, k % Q).start()

    for k in range(K - (Q - L), K):
        put_cp(k, k % Q).wait()


@functools.partial(jax.jit, static_argnames=())
def _gather(table, eidx):
    mesh = plsc.VectorSubcoreMesh(core_axis_name="c", subcore_axis_name="s")
    return pl.kernel(
        _gather_body,
        out_type=jax.ShapeDtypeStruct((BATCH * P, PIECE), jnp.float32),
        mesh=mesh,
        scratch_types=[
            pltpu.VMEM((K * 8 + 16,), jnp.int32),
            pltpu.VMEM((Q, 1, PIECE), jnp.float32),
        ] + [pltpu.SemaphoreType.DMA] * (2 * Q),
    )(table, eidx)


def kernel(customer_type_batch, prompt_table):
    idx = customer_type_batch.astype(jnp.int32)
    eidx = jnp.repeat(idx[:, None] * P + jnp.arange(P, dtype=jnp.int32)[None, :], 8)
    eidx = jnp.concatenate([eidx, jnp.zeros((16,), jnp.int32)])
    table = prompt_table.reshape(NUM_TYPES * P, PIECE)
    out = _gather(table, eidx)
    return out.reshape(BATCH, DUP, 1, NUM_HEADS, LENGTH, HEAD_DIM)

# --- scband reference (transcript-rebuilt; emitter-appended) ---
"""Pipeline reference for scband-e-prompt-21045339750879 (READ-ONLY COPY).

The authoritative reference and input builder live on the scoring server;
editing this copy changes nothing except your own understanding.
"""

import jax, jax.numpy as jnp
import numpy as np

NUM_HEADS = 16
INPUT_SIZE = 1024
LENGTH = 20
DUP = 2  # prefix=True -> dup=2
NUM_TYPES = 100
BATCH = 1024
HEAD_DIM = INPUT_SIZE // NUM_HEADS


def setup_inputs(seed: int = 0) -> dict:
    key = jax.random.key(seed)
    k1, k2 = jax.random.split(key)
    customer_type_batch = jax.random.randint(k1, (BATCH,), 0, NUM_TYPES, dtype=jnp.int64 if jax.config.jax_enable_x64 else jnp.int32)
    # In the torch module, prompts are created lazily per concept via
    # nn.init.uniform_(randn, -1, 1). We materialize all NUM_TYPES concept
    # prompts up-front as a single table: [NUM_TYPES, dup, 1, H, L, head_dim].
    prompt_table = jax.random.uniform(
        k2,
        (NUM_TYPES, DUP, 1, NUM_HEADS, LENGTH, HEAD_DIM),
        minval=-1.0,
        maxval=1.0,
        dtype=jnp.float32,
    )
    return {"customer_type_batch": customer_type_batch, "prompt_table": prompt_table}


def reference(customer_type_batch, prompt_table):
    # get_e_prompt: each sample i gets its concept's 5D prompt.
    # Output: [batch, dup, 1, num_heads, length, head_dim]
    return jnp.take(prompt_table, customer_type_batch, axis=0)

if __name__ == "__main__":
    import jax
    _d = setup_inputs()
    print(jax.jit(kernel)(*tuple(_d.values())))

</pallas_src>

<mosaic_0001>
#map = affine_map<(d0, d1) -> (0, 0)>
#map1 = affine_map<(d0, d1) -> (0)>
module attributes {stable_mosaic.version = 14 : i64} {
  func.func @_gather_body(%arg0: i32, %arg1: i32, %arg2: memref<100x40960xf32, #tpu.memory_space<hbm>>, %arg3: memref<8208xi32, #tpu.memory_space<hbm>>, %arg4: memref<1024x40960xf32, #tpu.memory_space<hbm>>, %arg5: memref<272xi32, #tpu.memory_space<vmem>>, %arg6: memref<2x1x40960xf32, #tpu.memory_space<vmem>>, %arg7: memref<!tpu.dma_semaphore, #tpu.memory_space<semaphore_mem>>, %arg8: memref<!tpu.dma_semaphore, #tpu.memory_space<semaphore_mem>>, %arg9: memref<!tpu.dma_semaphore, #tpu.memory_space<semaphore_mem>>, %arg10: memref<!tpu.dma_semaphore, #tpu.memory_space<semaphore_mem>>) attributes {dimension_semantics = [#tpu.dimension_semantics<core_parallel>, #tpu.dimension_semantics<subcore_parallel>], iteration_bounds = array<i64: 2, 16>, scalar_prefetch = 0 : i64, scratch_operands = 6 : i64, tpu.core_type = #tpu.core_type<sc_vector_subcore>, window_params = [{transform_indices = #map}, {transform_indices = #map1}, {transform_indices = #map}]} {
    %mul3A = arith.constant 2 : i32
    %mul3A_0 = arith.muli %arg1, %mul3A : i32
    %add3A = arith.addi %mul3A_0, %arg0 : i32
    %mul3A_1 = arith.constant 32 : i32
    %mul3A_2 = arith.muli %add3A, %mul3A_1 : i32
    %mul3A_3 = arith.constant 8 : i32
    %mul3A_4 = arith.muli %mul3A_2, %mul3A_3 : i32
    "tpu.region"() ({
      %run_scoped3A = tpu.sem_alloc : memref<!tpu.dma_semaphore, #tpu.memory_space<semaphore_mem>>
      %dma_start3A_137 = tpu.memref_slice %arg3[%mul3A_4] : memref<8208xi32, #tpu.memory_space<hbm>> -> memref<272xi32, #tpu.memory_space<hbm>>
      %dma_start3A_138 = tpu.memref_slice %arg3[%mul3A_4] : memref<8208xi32, #tpu.memory_space<hbm>> -> memref<272xi32, #tpu.memory_space<hbm>>
      tpu.enqueue_dma source(%dma_start3A_138 : memref<272xi32, #tpu.memory_space<hbm>>) target(%arg5 : memref<272xi32, #tpu.memory_space<vmem>>) target_semaphore(%run_scoped3A : memref<!tpu.dma_semaphore, #tpu.memory_space<semaphore_mem>>)
      %dma_wait3A_139 = tpu.memref_slice %arg3[%mul3A_4] : memref<8208xi32, #tpu.memory_space<hbm>> -> memref<272xi32, #tpu.memory_space<hbm>>
      %dma_wait3A_140 = tpu.memref_slice %arg3[%mul3A_4] : memref<8208xi32, #tpu.memory_space<hbm>> -> memref<272xi32, #tpu.memory_space<hbm>>
      tpu.wait_dma2 semaphore(%run_scoped3A : memref<!tpu.dma_semaphore, #tpu.memory_space<semaphore_mem>>) src(%dma_wait3A_140 : memref<272xi32, #tpu.memory_space<hbm>>) dst(%arg5 : memref<272xi32, #tpu.memory_space<vmem>>)
      tpu.yield
    }) : () -> ()
    %get3A = arith.constant 0 : index
    %get3A_5 = tpu.vector_load %arg5[%get3A] {strides = array<i32>} : memref<272xi32, #tpu.memory_space<vmem>>, vector<16xi32>,
    %get3A_6 = vector.shape_cast %get3A_5 : vector<16xi32> to vector<16xi32>
    %slice3A = vector.extract_strided_slice %get3A_6 {offsets = [0], sizes = [1], strides = [1]} : vector<16xi32> to vector<1xi32>
    %squeeze3A = vector.extract %slice3A[0] : i32 from vector<1xi32>
    %dma_start3A = arith.constant 0 : i32
    %dma_start3A_7 = arith.constant 0 : i32
    %dma_start3A_8 = arith.constant 0 : i32
    %dma_start3A_9 = tpu.memref_slice %arg6[%dma_start3A, %dma_start3A_7, %dma_start3A_8] : memref<2x1x40960xf32, #tpu.memory_space<vmem>> -> memref<1x1x40960xf32, #tpu.memory_space<vmem>>
    %dma_start3A_10 = tpu.memref_squeeze %dma_start3A_9 : memref<1x1x40960xf32, #tpu.memory_space<vmem>> -> memref<1x40960xf32, #tpu.memory_space<vmem>>
    %dma_start3A_11 = arith.constant 0 : i32
    %dma_start3A_12 = tpu.memref_slice %arg2[%squeeze3A, %dma_start3A_11] : memref<100x40960xf32, #tpu.memory_space<hbm>> -> memref<1x40960xf32, #tpu.memory_space<hbm>>
    %dma_start3A_13 = arith.constant 0 : i32
    %dma_start3A_14 = arith.constant 0 : i32
    %dma_start3A_15 = tpu.memref_slice %arg6[%dma_start3A, %dma_start3A_13, %dma_start3A_14] : memref<2x1x40960xf32, #tpu.memory_space<vmem>> -> memref<1x1x40960xf32, #tpu.memory_space<vmem>>
    %dma_start3A_16 = tpu.memref_squeeze %dma_start3A_15 : memref<1x1x40960xf32, #tpu.memory_space<vmem>> -> memref<1x40960xf32, #tpu.memory_space<vmem>>
    %dma_start3A_17 = arith.constant 0 : i32
    %dma_start3A_18 = tpu.memref_slice %arg2[%squeeze3A, %dma_start3A_17] : memref<100x40960xf32, #tpu.memory_space<hbm>> -> memref<1x40960xf32, #tpu.memory_space<hbm>>
    tpu.enqueue_dma source(%dma_start3A_18 : memref<1x40960xf32, #tpu.memory_space<hbm>>) target(%dma_start3A_16 : memref<1x40960xf32, #tpu.memory_space<vmem>>) target_semaphore(%arg7 : memref<!tpu.dma_semaphore, #tpu.memory_space<semaphore_mem>>)
    %get3A_19 = arith.constant 8 : index
    %get3A_20 = tpu.vector_load %arg5[%get3A_19] {strides = array<i32>} : memref<272xi32, #tpu.memory_space<vmem>>, vector<16xi32>,
    %get3A_21 = vector.shape_cast %get3A_20 : vector<16xi32> to vector<16xi32>
    %slice3A_22 = vector.extract_strided_slice %get3A_21 {offsets = [0], sizes = [1], strides = [1]} : vector<16xi32> to vector<1xi32>
    %squeeze3A_23 = vector.extract %slice3A_22[0] : i32 from vector<1xi32>
    %dma_start3A_24 = arith.constant 1 : i32
    %dma_start3A_25 = arith.constant 0 : i32
    %dma_start3A_26 = arith.constant 0 : i32
    %dma_start3A_27 = tpu.memref_slice %arg6[%dma_start3A_24, %dma_start3A_25, %dma_start3A_26] : memref<2x1x40960xf32, #tpu.memory_space<vmem>> -> memref<1x1x40960xf32, #tpu.memory_space<vmem>>
    %dma_start3A_28 = tpu.memref_squeeze %dma_start3A_27 : memref<1x1x40960xf32, #tpu.memory_space<vmem>> -> memref<1x40960xf32, #tpu.memory_space<vmem>>
    %dma_start3A_29 = arith.constant 0 : i32
    %dma_start3A_30 = tpu.memref_slice %arg2[%squeeze3A_23, %dma_start3A_29] : memref<100x40960xf32, #tpu.memory_space<hbm>> -> memref<1x40960xf32, #tpu.memory_space<hbm>>
    %dma_start3A_31 = arith.constant 0 : i32
    %dma_start3A_32 = arith.constant 0 : i32
    %dma_start3A_33 = tpu.memref_slice %arg6[%dma_start3A_24, %dma_start3A_31, %dma_start3A_32] : memref<2x1x40960xf32, #tpu.memory_space<vmem>> -> memref<1x1x40960xf32, #tpu.memory_space<vmem>>
    %dma_start3A_34 = tpu.memref_squeeze %dma_start3A_33 : memref<1x1x40960xf32, #tpu.memory_space<vmem>> -> memref<1x40960xf32, #tpu.memory_space<vmem>>
    %dma_start3A_35 = arith.constant 0 : i32
    %dma_start3A_36 = tpu.memref_slice %arg2[%squeeze3A_23, %dma_start3A_35] : memref<100x40960xf32, #tpu.memory_space<hbm>> -> memref<1x40960xf32, #tpu.memory_space<hbm>>
    tpu.enqueue_dma source(%dma_start3A_36 : memref<1x40960xf32, #tpu.memory_space<hbm>>) target(%dma_start3A_34 : memref<1x40960xf32, #tpu.memory_space<vmem>>) target_semaphore(%arg8 : memref<!tpu.dma_semaphore, #tpu.memory_space<semaphore_mem>>)
    %get3A_37 = arith.constant 0 : index
    %get3A_38 = tpu.vector_load %arg5[%get3A_37] {strides = array<i32>} : memref<272xi32, #tpu.memory_space<vmem>>, vector<16xi32>,
    %get3A_39 = vector.shape_cast %get3A_38 : vector<16xi32> to vector<16xi32>
    %slice3A_40 = vector.extract_strided_slice %get3A_39 {offsets = [0], sizes = [1], strides = [1]} : vector<16xi32> to vector<1xi32>
    %squeeze3A_41 = vector.extract %slice3A_40[0] : i32 from vector<1xi32>
    %dma_wait3A = arith.constant 0 : i32
    %dma_wait3A_42 = arith.constant 0 : i32
    %dma_wait3A_43 = arith.constant 0 : i32
    %dma_wait3A_44 = tpu.memref_slice %arg6[%dma_wait3A, %dma_wait3A_42, %dma_wait3A_43] : memref<2x1x40960xf32, #tpu.memory_space<vmem>> -> memref<1x1x40960xf32, #tpu.memory_space<vmem>>
    %dma_wait3A_45 = tpu.memref_squeeze %dma_wait3A_44 : memref<1x1x40960xf32, #tpu.memory_space<vmem>> -> memref<1x40960xf32, #tpu.memory_space<vmem>>
    %dma_wait3A_46 = arith.constant 0 : i32
    %dma_wait3A_47 = tpu.memref_slice %arg2[%squeeze3A_41, %dma_wait3A_46] : memref<100x40960xf32, #tpu.memory_space<hbm>> -> memref<1x40960xf32, #tpu.memory_space<hbm>>
    %dma_wait3A_48 = arith.constant 0 : i32
    %dma_wait3A_49 = arith.constant 0 : i32
    %dma_wait3A_50 = tpu.memref_slice %arg6[%dma_wait3A, %dma_wait3A_48, %dma_wait3A_49] : memref<2x1x40960xf32, #tpu.memory_space<vmem>> -> memref<1x1x40960xf32, #tpu.memory_space<vmem>>
    %dma_wait3A_51 = tpu.memref_squeeze %dma_wait3A_50 : memref<1x1x40960xf32, #tpu.memory_space<vmem>> -> memref<1x40960xf32, #tpu.memory_space<vmem>>
    %dma_wait3A_52 = arith.constant 0 : i32
    %dma_wait3A_53 = tpu.memref_slice %arg2[%squeeze3A_41, %dma_wait3A_52] : memref<100x40960xf32, #tpu.memory_space<hbm>> -> memref<1x40960xf32, #tpu.memory_space<hbm>>
    tpu.wait_dma2 semaphore(%arg7 : memref<!tpu.dma_semaphore, #tpu.memory_space<semaphore_mem>>) src(%dma_wait3A_53 : memref<1x40960xf32, #tpu.memory_space<hbm>>) dst(%dma_wait3A_51 : memref<1x40960xf32, #tpu.memory_space<vmem>>)
    %add3A_54 = arith.constant 0 : i32
    %add3A_55 = arith.addi %mul3A_2, %add3A_54 : i32
    %dma_start3A_56 = arith.constant 0 : i32
    %dma_start3A_57 = arith.constant 0 : i32
    %dma_start3A_58 = arith.constant 0 : i32
    %dma_start3A_59 = tpu.memref_slice %arg6[%dma_start3A_56, %dma_start3A_57, %dma_start3A_58] : memref<2x1x40960xf32, #tpu.memory_space<vmem>> -> memref<1x1x40960xf32, #tpu.memory_space<vmem>>
    %dma_start3A_60 = tpu.memref_squeeze %dma_start3A_59 : memref<1x1x40960xf32, #tpu.memory_space<vmem>> -> memref<1x40960xf32, #tpu.memory_space<vmem>>
    %dma_start3A_61 = arith.constant 0 : i32
    %dma_start3A_62 = tpu.memref_slice %arg4[%add3A_55, %dma_start3A_61] : memref<1024x40960xf32, #tpu.memory_space<hbm>> -> memref<1x40960xf32, #tpu.memory_space<hbm>>
    %dma_start3A_63 = arith.constant 0 : i32
    %dma_start3A_64 = tpu.memref_slice %arg4[%add3A_55, %dma_start3A_63] : memref<1024x40960xf32, #tpu.memory_space<hbm>> -> memref<1x40960xf32, #tpu.memory_space<hbm>>
    %dma_start3A_65 = arith.constant 0 : i32
    %dma_start3A_66 = arith.constant 0 : i32
    %dma_start3A_67 = tpu.memref_slice %arg6[%dma_start3A_56, %dma_start3A_65, %dma_start3A_66] : memref<2x1x40960xf32, #tpu.memory_space<vmem>> -> memref<1x1x40960xf32, #tpu.memory_space<vmem>>
    %dma_start3A_68 = tpu.memref_squeeze %dma_start3A_67 : memref<1x1x40960xf32, #tpu.memory_space<vmem>> -> memref<1x40960xf32, #tpu.memory_space<vmem>>
    tpu.enqueue_dma source(%dma_start3A_68 : memref<1x40960xf32, #tpu.memory_space<vmem>>) target(%dma_start3A_64 : memref<1x40960xf32, #tpu.memory_space<hbm>>) target_semaphore(%arg9 : memref<!tpu.dma_semaphore, #tpu.memory_space<semaphore_mem>>)
    %scan3A = arith.constant 0 : i32
    %scan3A_69 = arith.constant 0 : i32
    %scan3A_70 = arith.constant 15 : i32
    %scan3A_71 = arith.addi %scan3A_69, %scan3A_70 : i32
    %scan3A_72 = arith.constant 1 : i32
    scf.for %scan3A_137 = %scan3A_69 to %scan3A_71 step %scan3A_72  : i32 {
      %mul3A_138 = arith.constant 2 : i32
      %mul3A_139 = arith.muli %mul3A_138, %scan3A_137 : i32
      %add3A_140 = arith.constant 1 : i32
      %add3A_141 = arith.addi %mul3A_139, %add3A_140 : i32
      %add3A_142 = arith.constant 0 : i32
      %add3A_143 = arith.addi %add3A_141, %add3A_142 : i32
      %sub3A = arith.constant 1 : i32
      %sub3A_144 = arith.subi %add3A_143, %sub3A : i32
      %add3A_145 = arith.addi %mul3A_2, %sub3A_144 : i32
      %dma_wait3A_146 = arith.constant 0 : i32
      %dma_wait3A_147 = arith.constant 0 : i32
      %dma_wait3A_148 = arith.constant 0 : i32
      %dma_wait3A_149 = tpu.memref_slice %arg6[%dma_wait3A_146, %dma_wait3A_147, %dma_wait3A_148] : memref<2x1x40960xf32, #tpu.memory_space<vmem>> -> memref<1x1x40960xf32, #tpu.memory_space<vmem>>
      %dma_wait3A_150 = tpu.memref_squeeze %dma_wait3A_149 : memref<1x1x40960xf32, #tpu.memory_space<vmem>> -> memref<1x40960xf32, #tpu.memory_space<vmem>>
      %dma_wait3A_151 = arith.constant 0 : i32
      %dma_wait3A_152 = tpu.memref_slice %arg4[%add3A_145, %dma_wait3A_151] : memref<1024x40960xf32, #tpu.memory_space<hbm>> -> memref<1x40960xf32, #tpu.memory_space<hbm>>
      %dma_wait3A_153 = arith.constant 0 : i32
      %dma_wait3A_154 = tpu.memref_slice %arg4[%add3A_145, %dma_wait3A_153] : memref<1024x40960xf32, #tpu.memory_space<hbm>> -> memref<1x40960xf32, #tpu.memory_space<hbm>>
      %dma_wait3A_155 = arith.constant 0 : i32
      %dma_wait3A_156 = arith.constant 0 : i32
      %dma_wait3A_157 = tpu.memref_slice %arg6[%dma_wait3A_146, %dma_wait3A_155, %dma_wait3A_156] : memref<2x1x40960xf32, #tpu.memory_space<vmem>> -> memref<1x1x40960xf32, #tpu.memory_space<vmem>>
      %dma_wait3A_158 = tpu.memref_squeeze %dma_wait3A_157 : memref<1x1x40960xf32, #tpu.memory_space<vmem>> -> memref<1x40960xf32, #tpu.memory_space<vmem>>
      tpu.wait_dma2 semaphore(%arg9 : memref<!tpu.dma_semaphore, #tpu.memory_space<semaphore_mem>>) src(%dma_wait3A_158 : memref<1x40960xf32, #tpu.memory_space<vmem>>) dst(%dma_wait3A_154 : memref<1x40960xf32, #tpu.memory_space<hbm>>)
      %add3A_159 = arith.constant 1 : i32
      %add3A_160 = arith.addi %add3A_143, %add3A_159 : i32
      %mul3A_161 = arith.constant 8 : i32
      %mul3A_162 = arith.muli %mul3A_161, %add3A_160 : i32
      %get3A_163 = arith.index_cast %mul3A_162 : i32 to index
      %get3A_164 = tpu.vector_load %arg5[%get3A_163] {strides = array<i32>} : memref<272xi32, #tpu.memory_space<vmem>>, vector<16xi32>,
      %get3A_165 = vector.shape_cast %get3A_164 : vector<16xi32> to vector<16xi32>
      %slice3A_166 = vector.extract_strided_slice %get3A_165 {offsets = [0], sizes = [1], strides = [1]} : vector<16xi32> to vector<1xi32>
      %squeeze3A_167 = vector.extract %slice3A_166[0] : i32 from vector<1xi32>
      %dma_start3A_168 = arith.constant 0 : i32
      %dma_start3A_169 = arith.constant 0 : i32
      %dma_start3A_170 = arith.constant 0 : i32
      %dma_start3A_171 = tpu.memref_slice %arg6[%dma_start3A_168, %dma_start3A_169, %dma_start3A_170] : memref<2x1x40960xf32, #tpu.memory_space<vmem>> -> memref<1x1x40960xf32, #tpu.memory_space<vmem>>
      %dma_start3A_172 = tpu.memref_squeeze %dma_start3A_171 : memref<1x1x40960xf32, #tpu.memory_space<vmem>> -> memref<1x40960xf32, #tpu.memory_space<vmem>>
      %dma_start3A_173 = arith.constant 0 : i32
      %dma_start3A_174 = tpu.memref_slice %arg2[%squeeze3A_167, %dma_start3A_173] : memref<100x40960xf32, #tpu.memory_space<hbm>> -> memref<1x40960xf32, #tpu.memory_space<hbm>>
      %dma_start3A_175 = arith.constant 0 : i32
      %dma_start3A_176 = arith.constant 0 : i32
      %dma_start3A_177 = tpu.memref_slice %arg6[%dma_start3A_168, %dma_start3A_175, %dma_start3A_176] : memref<2x1x40960xf32, #tpu.memory_space<vmem>> -> memref<1x1x40960xf32, #tpu.memory_space<vmem>>
      %dma_start3A_178 = tpu.memref_squeeze %dma_start3A_177 : memref<1x1x40960xf32, #tpu.memory_space<vmem>> -> memref<1x40960xf32, #tpu.memory_space<vmem>>
      %dma_start3A_179 = arith.constant 0 : i32
      %dma_start3A_180 = tpu.memref_slice %arg2[%squeeze3A_167, %dma_start3A_179] : memref<100x40960xf32, #tpu.memory_space<hbm>> -> memref<1x40960xf32, #tpu.memory_space<hbm>>
      tpu.enqueue_dma source(%dma_start3A_180 : memref<1x40960xf32, #tpu.memory_space<hbm>>) target(%dma_start3A_178 : memref<1x40960xf32, #tpu.memory_space<vmem>>) target_semaphore(%arg7 : memref<!tpu.dma_semaphore, #tpu.memory_space<semaphore_mem>>)
      %mul3A_181 = arith.constant 8 : i32
      %mul3A_182 = arith.muli %mul3A_181, %add3A_143 : i32
      %get3A_183 = arith.index_cast %mul3A_182 : i32 to index
      %get3A_184 = tpu.vector_load %arg5[%get3A_183] {strides = array<i32>} : memref<272xi32, #tpu.memory_space<vmem>>, vector<16xi32>,
      %get3A_185 = vector.shape_cast %get3A_184 : vector<16xi32> to vector<16xi32>
      %slice3A_186 = vector.extract_strided_slice %get3A_185 {offsets = [0], sizes = [1], strides = [1]} : vector<16xi32> to vector<1xi32>
      %squeeze3A_187 = vector.extract %slice3A_186[0] : i32 from vector<1xi32>
      %dma_wait3A_188 = arith.constant 1 : i32
      %dma_wait3A_189 = arith.constant 0 : i32
      %dma_wait3A_190 = arith.constant 0 : i32
      %dma_wait3A_191 = tpu.memref_slice %arg6[%dma_wait3A_188, %dma_wait3A_189, %dma_wait3A_190] : memref<2x1x40960xf32, #tpu.memory_space<vmem>> -> memref<1x1x40960xf32, #tpu.memory_space<vmem>>
      %dma_wait3A_192 = tpu.memref_squeeze %dma_wait3A_191 : memref<1x1x40960xf32, #tpu.memory_space<vmem>> -> memref<1x40960xf32, #tpu.memory_space<vmem>>
      %dma_wait3A_193 = arith.constant 0 : i32
      %dma_wait3A_194 = tpu.memref_slice %arg2[%squeeze3A_187, %dma_wait3A_193] : memref<100x40960xf32, #tpu.memory_space<hbm>> -> memref<1x40960xf32, #tpu.memory_space<hbm>>
      %dma_wait3A_195 = arith.constant 0 : i32
      %dma_wait3A_196 = arith.constant 0 : i32
      %dma_wait3A_197 = tpu.memref_slice %arg6[%dma_wait3A_188, %dma_wait3A_195, %dma_wait3A_196] : memref<2x1x40960xf32, #tpu.memory_space<vmem>> -> memref<1x1x40960xf32, #tpu.memory_space<vmem>>
      %dma_wait3A_198 = tpu.memref_squeeze %dma_wait3A_197 : memref<1x1x40960xf32, #tpu.memory_space<vmem>> -> memref<1x40960xf32, #tpu.memory_space<vmem>>
      %dma_wait3A_199 = arith.constant 0 : i32
      %dma_wait3A_200 = tpu.memref_slice %arg2[%squeeze3A_187, %dma_wait3A_199] : memref<100x40960xf32, #tpu.memory_space<hbm>> -> memref<1x40960xf32, #tpu.memory_space<hbm>>
      tpu.wait_dma2 semaphore(%arg8 : memref<!tpu.dma_semaphore, #tpu.memory_space<semaphore_mem>>) src(%dma_wait3A_200 : memref<1x40960xf32, #tpu.memory_space<hbm>>) dst(%dma_wait3A_198 : memref<1x40960xf32, #tpu.memory_space<vmem>>)
      %add3A_201 = arith.addi %mul3A_2, %add3A_143 : i32
      %dma_start3A_202 = arith.constant 1 : i32
      %dma_start3A_203 = arith.constant 0 : i32
      %dma_start3A_204 = arith.constant 0 : i32
      %dma_start3A_205 = tpu.memref_slice %arg6[%dma_start3A_202, %dma_start3A_203, %dma_start3A_204] : memref<2x1x40960xf32, #tpu.memory_space<vmem>> -> memref<1x1x40960xf32, #tpu.memory_space<vmem>>
      %dma_start3A_206 = tpu.memref_squeeze %dma_start3A_205 : memref<1x1x40960xf32, #tpu.memory_space<vmem>> -> memref<1x40960xf32, #tpu.memory_space<vmem>>
      %dma_start3A_207 = arith.constant 0 : i32
      %dma_start3A_208 = tpu.memref_slice %arg4[%add3A_201, %dma_start3A_207] : memref<1024x40960xf32, #tpu.memory_space<hbm>> -> memref<1x40960xf32, #tpu.memory_space<hbm>>
      %dma_start3A_209 = arith.constant 0 : i32
      %dma_start3A_210 = tpu.memref_slice %arg4[%add3A_201, %dma_start3A_209] : memref<1024x40960xf32, #tpu.memory_space<hbm>> -> memref<1x40960xf32, #tpu.memory_space<hbm>>
      %dma_start3A_211 = arith.constant 0 : i32
      %dma_start3A_212 = arith.constant 0 : i32
      %dma_start3A_213 = tpu.memref_slice %arg6[%dma_start3A_202, %dma_start3A_211, %dma_start3A_212] : memref<2x1x40960xf32, #tpu.memory_space<vmem>> -> memref<1x1x40960xf32, #tpu.memory_space<vmem>>
      %dma_start3A_214 = tpu.memref_squeeze %dma_start3A_213 : memref<1x1x40960xf32, #tpu.memory_space<vmem>> -> memref<1x40960xf32, #tpu.memory_space<vmem>>
      tpu.enqueue_dma source(%dma_start3A_214 : memref<1x40960xf32, #tpu.memory_space<vmem>>) target(%dma_start3A_210 : memref<1x40960xf32, #tpu.memory_space<hbm>>) target_semaphore(%arg10 : memref<!tpu.dma_semaphore, #tpu.memory_space<semaphore_mem>>)
      %mul3A_215 = arith.constant 2 : i32
      %mul3A_216 = arith.muli %mul3A_215, %scan3A_137 : i32
      %add3A_217 = arith.constant 1 : i32
      %add3A_218 = arith.addi %mul3A_216, %add3A_217 : i32
      %add3A_219 = arith.constant 1 : i32
      %add3A_220 = arith.addi %add3A_218, %add3A_219 : i32
      %sub3A_221 = arith.constant 1 : i32
      %sub3A_222 = arith.subi %add3A_220, %sub3A_221 : i32
      %add3A_223 = arith.addi %mul3A_2, %sub3A_222 : i32
      %dma_wait3A_224 = arith.constant 1 : i32
      %dma_wait3A_225 = arith.constant 0 : i32
      %dma_wait3A_226 = arith.constant 0 : i32
      %dma_wait3A_227 = tpu.memref_slice %arg6[%dma_wait3A_224, %dma_wait3A_225, %dma_wait3A_226] : memref<2x1x40960xf32, #tpu.memory_space<vmem>> -> memref<1x1x40960xf32, #tpu.memory_space<vmem>>
      %dma_wait3A_228 = tpu.memref_squeeze %dma_wait3A_227 : memref<1x1x40960xf32, #tpu.memory_space<vmem>> -> memref<1x40960xf32, #tpu.memory_space<vmem>>
      %dma_wait3A_229 = arith.constant 0 : i32
      %dma_wait3A_230 = tpu.memref_slice %arg4[%add3A_223, %dma_wait3A_229] : memref<1024x40960xf32, #tpu.memory_space<hbm>> -> memref<1x40960xf32, #tpu.memory_space<hbm>>
      %dma_wait3A_231 = arith.constant 0 : i32
      %dma_wait3A_232 = tpu.memref_slice %arg4[%add3A_223, %dma_wait3A_231] : memref<1024x40960xf32, #tpu.memory_space<hbm>> -> memref<1x40960xf32, #tpu.memory_space<hbm>>
      %dma_wait3A_233 = arith.constant 0 : i32
      %dma_wait3A_234 = arith.constant 0 : i32
      %dma_wait3A_235 = tpu.memref_slice %arg6[%dma_wait3A_224, %dma_wait3A_233, %dma_wait3A_234] : memref<2x1x40960xf32, #tpu.memory_space<vmem>> -> memref<1x1x40960xf32, #tpu.memory_space<vmem>>
      %dma_wait3A_236 = tpu.memref_squeeze %dma_wait3A_235 : memref<1x1x40960xf32, #tpu.memory_space<vmem>> -> memref<1x40960xf32, #tpu.memory_space<vmem>>
      tpu.wait_dma2 semaphore(%arg10 : memref<!tpu.dma_semaphore, #tpu.memory_space<semaphore_mem>>) src(%dma_wait3A_236 : memref<1x40960xf32, #tpu.memory_space<vmem>>) dst(%dma_wait3A_232 : memref<1x40960xf32, #tpu.memory_space<hbm>>)
      %add3A_237 = arith.constant 1 : i32
      %add3A_238 = arith.addi %add3A_220, %add3A_237 : i32
      %mul3A_239 = arith.constant 8 : i32
      %mul3A_240 = arith.muli %mul3A_239, %add3A_238 : i32
      %get3A_241 = arith.index_cast %mul3A_240 : i32 to index
      %get3A_242 = tpu.vector_load %arg5[%get3A_241] {strides = array<i32>} : memref<272xi32, #tpu.memory_space<vmem>>, vector<16xi32>,
      %get3A_243 = vector.shape_cast %get3A_242 : vector<16xi32> to vector<16xi32>
      %slice3A_244 = vector.extract_strided_slice %get3A_243 {offsets = [0], sizes = [1], strides = [1]} : vector<16xi32> to vector<1xi32>
      %squeeze3A_245 = vector.extract %slice3A_244[0] : i32 from vector<1xi32>
      %dma_start3A_246 = arith.constant 1 : i32
      %dma_start3A_247 = arith.constant 0 : i32
      %dma_start3A_248 = arith.constant 0 : i32
      %dma_start3A_249 = tpu.memref_slice %arg6[%dma_start3A_246, %dma_start3A_247, %dma_start3A_248] : memref<2x1x40960xf32, #tpu.memory_space<vmem>> -> memref<1x1x40960xf32, #tpu.memory_space<vmem>>
      %dma_start3A_250 = tpu.memref_squeeze %dma_start3A_249 : memref<1x1x40960xf32, #tpu.memory_space<vmem>> -> memref<1x40960xf32, #tpu.memory_space<vmem>>
      %dma_start3A_251 = arith.constant 0 : i32
      %dma_start3A_252 = tpu.memref_slice %arg2[%squeeze3A_245, %dma_start3A_251] : memref<100x40960xf32, #tpu.memory_space<hbm>> -> memref<1x40960xf32, #tpu.memory_space<hbm>>
      %dma_start3A_253 = arith.constant 0 : i32
      %dma_start3A_254 = arith.constant 0 : i32
      %dma_start3A_255 = tpu.memref_slice %arg6[%dma_start3A_246, %dma_start3A_253, %dma_start3A_254] : memref<2x1x40960xf32, #tpu.memory_space<vmem>> -> memref<1x1x40960xf32, #tpu.memory_space<vmem>>
      %dma_start3A_256 = tpu.memref_squeeze %dma_start3A_255 : memref<1x1x40960xf32, #tpu.memory_space<vmem>> -> memref<1x40960xf32, #tpu.memory_space<vmem>>
      %dma_start3A_257 = arith.constant 0 : i32
      %dma_start3A_258 = tpu.memref_slice %arg2[%squeeze3A_245, %dma_start3A_257] : memref<100x40960xf32, #tpu.memory_space<hbm>> -> memref<1x40960xf32, #tpu.memory_space<hbm>>
      tpu.enqueue_dma source(%dma_start3A_258 : memref<1x40960xf32, #tpu.memory_space<hbm>>) target(%dma_start3A_256 : memref<1x40960xf32, #tpu.memory_space<vmem>>) target_semaphore(%arg8 : memref<!tpu.dma_semaphore, #tpu.memory_space<semaphore_mem>>)
      %mul3A_259 = arith.constant 8 : i32
      %mul3A_260 = arith.muli %mul3A_259, %add3A_220 : i32
      %get3A_261 = arith.index_cast %mul3A_260 : i32 to index
      %get3A_262 = tpu.vector_load %arg5[%get3A_261] {strides = array<i32>} : memref<272xi32, #tpu.memory_space<vmem>>, vector<16xi32>,
      %get3A_263 = vector.shape_cast %get3A_262 : vector<16xi32> to vector<16xi32>
      %slice3A_264 = vector.extract_strided_slice %get3A_263 {offsets = [0], sizes = [1], strides = [1]} : vector<16xi32> to vector<1xi32>
      %squeeze3A_265 = vector.extract %slice3A_264[0] : i32 from vector<1xi32>
      %dma_wait3A_266 = arith.constant 0 : i32
      %dma_wait3A_267 = arith.constant 0 : i32
      %dma_wait3A_268 = arith.constant 0 : i32
      %dma_wait3A_269 = tpu.memref_slice %arg6[%dma_wait3A_266, %dma_wait3A_267, %dma_wait3A_268] : memref<2x1x40960xf32, #tpu.memory_space<vmem>> -> memref<1x1x40960xf32, #tpu.memory_space<vmem>>
      %dma_wait3A_270 = tpu.memref_squeeze %dma_wait3A_269 : memref<1x1x40960xf32, #tpu.memory_space<vmem>> -> memref<1x40960xf32, #tpu.memory_space<vmem>>
      %dma_wait3A_271 = arith.constant 0 : i32
      %dma_wait3A_272 = tpu.memref_slice %arg2[%squeeze3A_265, %dma_wait3A_271] : memref<100x40960xf32, #tpu.memory_space<hbm>> -> memref<1x40960xf32, #tpu.memory_space<hbm>>
      %dma_wait3A_273 = arith.constant 0 : i32
      %dma_wait3A_274 = arith.constant 0 : i32
      %dma_wait3A_275 = tpu.memref_slice %arg6[%dma_wait3A_266, %dma_wait3A_273, %dma_wait3A_274] : memref<2x1x40960xf32, #tpu.memory_space<vmem>> -> memref<1x1x40960xf32, #tpu.memory_space<vmem>>
      %dma_wait3A_276 = tpu.memref_squeeze %dma_wait3A_275 : memref<1x1x40960xf32, #tpu.memory_space<vmem>> -> memref<1x40960xf32, #tpu.memory_space<vmem>>
      %dma_wait3A_277 = arith.constant 0 : i32
      %dma_wait3A_278 = tpu.memref_slice %arg2[%squeeze3A_265, %dma_wait3A_277] : memref<100x40960xf32, #tpu.memory_space<hbm>> -> memref<1x40960xf32, #tpu.memory_space<hbm>>
      tpu.wait_dma2 semaphore(%arg7 : memref<!tpu.dma_semaphore, #tpu.memory_space<semaphore_mem>>) src(%dma_wait3A_278 : memref<1x40960xf32, #tpu.memory_space<hbm>>) dst(%dma_wait3A_276 : memref<1x40960xf32, #tpu.memory_space<vmem>>)
      %add3A_279 = arith.addi %mul3A_2, %add3A_220 : i32
      %dma_start3A_280 = arith.constant 0 : i32
      %dma_start3A_281 = arith.constant 0 : i32
      %dma_start3A_282 = arith.constant 0 : i32
      %dma_start3A_283 = tpu.memref_slice %arg6[%dma_start3A_280, %dma_start3A_281, %dma_start3A_282] : memref<2x1x40960xf32, #tpu.memory_space<vmem>> -> memref<1x1x40960xf32, #tpu.memory_space<vmem>>
      %dma_start3A_284 = tpu.memref_squeeze %dma_start3A_283 : memref<1x1x40960xf32, #tpu.memory_space<vmem>> -> memref<1x40960xf32, #tpu.memory_space<vmem>>
      %dma_start3A_285 = arith.constant 0 : i32
      %dma_start3A_286 = tpu.memref_slice %arg4[%add3A_279, %dma_start3A_285] : memref<1024x40960xf32, #tpu.memory_space<hbm>> -> memref<1x40960xf32, #tpu.memory_space<hbm>>
      %dma_start3A_287 = arith.constant 0 : i32
      %dma_start3A_288 = tpu.memref_slice %arg4[%add3A_279, %dma_start3A_287] : memref<1024x40960xf32, #tpu.memory_space<hbm>> -> memref<1x40960xf32, #tpu.memory_space<hbm>>
      %dma_start3A_289 = arith.constant 0 : i32
      %dma_start3A_290 = arith.constant 0 : i32
      %dma_start3A_291 = tpu.memref_slice %arg6[%dma_start3A_280, %dma_start3A_289, %dma_start3A_290] : memref<2x1x40960xf32, #tpu.memory_space<vmem>> -> memref<1x1x40960xf32, #tpu.memory_space<vmem>>
      %dma_start3A_292 = tpu.memref_squeeze %dma_start3A_291 : memref<1x1x40960xf32, #tpu.memory_space<vmem>> -> memref<1x40960xf32, #tpu.memory_space<vmem>>
      tpu.enqueue_dma source(%dma_start3A_292 : memref<1x40960xf32, #tpu.memory_space<vmem>>) target(%dma_start3A_288 : memref<1x40960xf32, #tpu.memory_space<hbm>>) target_semaphore(%arg9 : memref<!tpu.dma_semaphore, #tpu.memory_space<semaphore_mem>>)
    }
    %scan3A_73 = arith.constant 15 : i32
    %add3A_74 = arith.constant 30 : i32
    %add3A_75 = arith.addi %mul3A_2, %add3A_74 : i32
    %dma_wait3A_76 = arith.constant 0 : i32
    %dma_wait3A_77 = arith.constant 0 : i32
    %dma_wait3A_78 = arith.constant 0 : i32
    %dma_wait3A_79 = tpu.memref_slice %arg6[%dma_wait3A_76, %dma_wait3A_77, %dma_wait3A_78] : memref<2x1x40960xf32, #tpu.memory_space<vmem>> -> memref<1x1x40960xf32, #tpu.memory_space<vmem>>
    %dma_wait3A_80 = tpu.memref_squeeze %dma_wait3A_79 : memref<1x1x40960xf32, #tpu.memory_space<vmem>> -> memref<1x40960xf32, #tpu.memory_space<vmem>>
    %dma_wait3A_81 = arith.constant 0 : i32
    %dma_wait3A_82 = tpu.memref_slice %arg4[%add3A_75, %dma_wait3A_81] : memref<1024x40960xf32, #tpu.memory_space<hbm>> -> memref<1x40960xf32, #tpu.memory_space<hbm>>
    %dma_wait3A_83 = arith.constant 0 : i32
    %dma_wait3A_84 = tpu.memref_slice %arg4[%add3A_75, %dma_wait3A_83] : memref<1024x40960xf32, #tpu.memory_space<hbm>> -> memref<1x40960xf32, #tpu.memory_space<hbm>>
    %dma_wait3A_85 = arith.constant 0 : i32
    %dma_wait3A_86 = arith.constant 0 : i32
    %dma_wait3A_87 = tpu.memref_slice %arg6[%dma_wait3A_76, %dma_wait3A_85, %dma_wait3A_86] : memref<2x1x40960xf32, #tpu.memory_space<vmem>> -> memref<1x1x40960xf32, #tpu.memory_space<vmem>>
    %dma_wait3A_88 = tpu.memref_squeeze %dma_wait3A_87 : memref<1x1x40960xf32, #tpu.memory_space<vmem>> -> memref<1x40960xf32, #tpu.memory_space<vmem>>
    tpu.wait_dma2 semaphore(%arg9 : memref<!tpu.dma_semaphore, #tpu.memory_space<semaphore_mem>>) src(%dma_wait3A_88 : memref<1x40960xf32, #tpu.memory_space<vmem>>) dst(%dma_wait3A_84 : memref<1x40960xf32, #tpu.memory_space<hbm>>)
    %get3A_89 = arith.constant 248 : index
    %get3A_90 = tpu.vector_load %arg5[%get3A_89] {strides = array<i32>} : memref<272xi32, #tpu.memory_space<vmem>>, vector<16xi32>,
    %get3A_91 = vector.shape_cast %get3A_90 : vector<16xi32> to vector<16xi32>
    %slice3A_92 = vector.extract_strided_slice %get3A_91 {offsets = [0], sizes = [1], strides = [1]} : vector<16xi32> to vector<1xi32>
    %squeeze3A_93 = vector.extract %slice3A_92[0] : i32 from vector<1xi32>
    %dma_wait3A_94 = arith.constant 1 : i32
    %dma_wait3A_95 = arith.constant 0 : i32
    %dma_wait3A_96 = arith.constant 0 : i32
    %dma_wait3A_97 = tpu.memref_slice %arg6[%dma_wait3A_94, %dma_wait3A_95, %dma_wait3A_96] : memref<2x1x40960xf32, #tpu.memory_space<vmem>> -> memref<1x1x40960xf32, #tpu.memory_space<vmem>>
    %dma_wait3A_98 = tpu.memref_squeeze %dma_wait3A_97 : memref<1x1x40960xf32, #tpu.memory_space<vmem>> -> memref<1x40960xf32, #tpu.memory_space<vmem>>
    %dma_wait3A_99 = arith.constant 0 : i32
    %dma_wait3A_100 = tpu.memref_slice %arg2[%squeeze3A_93, %dma_wait3A_99] : memref<100x40960xf32, #tpu.memory_space<hbm>> -> memref<1x40960xf32, #tpu.memory_space<hbm>>
    %dma_wait3A_101 = arith.constant 0 : i32
    %dma_wait3A_102 = arith.constant 0 : i32
    %dma_wait3A_103 = tpu.memref_slice %arg6[%dma_wait3A_94, %dma_wait3A_101, %dma_wait3A_102] : memref<2x1x40960xf32, #tpu.memory_space<vmem>> -> memref<1x1x40960xf32, #tpu.memory_space<vmem>>
    %dma_wait3A_104 = tpu.memref_squeeze %dma_wait3A_103 : memref<1x1x40960xf32, #tpu.memory_space<vmem>> -> memref<1x40960xf32, #tpu.memory_space<vmem>>
    %dma_wait3A_105 = arith.constant 0 : i32
    %dma_wait3A_106 = tpu.memref_slice %arg2[%squeeze3A_93, %dma_wait3A_105] : memref<100x40960xf32, #tpu.memory_space<hbm>> -> memref<1x40960xf32, #tpu.memory_space<hbm>>
    tpu.wait_dma2 semaphore(%arg8 : memref<!tpu.dma_semaphore, #tpu.memory_space<semaphore_mem>>) src(%dma_wait3A_106 : memref<1x40960xf32, #tpu.memory_space<hbm>>) dst(%dma_wait3A_104 : memref<1x40960xf32, #tpu.memory_space<vmem>>)
    %add3A_107 = arith.constant 31 : i32
    %add3A_108 = arith.addi %mul3A_2, %add3A_107 : i32
    %dma_start3A_109 = arith.constant 1 : i32
    %dma_start3A_110 = arith.constant 0 : i32
    %dma_start3A_111 = arith.constant 0 : i32
    %dma_start3A_112 = tpu.memref_slice %arg6[%dma_start3A_109, %dma_start3A_110, %dma_start3A_111] : memref<2x1x40960xf32, #tpu.memory_space<vmem>> -> memref<1x1x40960xf32, #tpu.memory_space<vmem>>
    %dma_start3A_113 = tpu.memref_squeeze %dma_start3A_112 : memref<1x1x40960xf32, #tpu.memory_space<vmem>> -> memref<1x40960xf32, #tpu.memory_space<vmem>>
    %dma_start3A_114 = arith.constant 0 : i32
    %dma_start3A_115 = tpu.memref_slice %arg4[%add3A_108, %dma_start3A_114] : memref<1024x40960xf32, #tpu.memory_space<hbm>> -> memref<1x40960xf32, #tpu.memory_space<hbm>>
    %dma_start3A_116 = arith.constant 0 : i32
    %dma_start3A_117 = tpu.memref_slice %arg4[%add3A_108, %dma_start3A_116] : memref<1024x40960xf32, #tpu.memory_space<hbm>> -> memref<1x40960xf32, #tpu.memory_space<hbm>>
    %dma_start3A_118 = arith.constant 0 : i32
    %dma_start3A_119 = arith.constant 0 : i32
    %dma_start3A_120 = tpu.memref_slice %arg6[%dma_start3A_109, %dma_start3A_118, %dma_start3A_119] : memref<2x1x40960xf32, #tpu.memory_space<vmem>> -> memref<1x1x40960xf32, #tpu.memory_space<vmem>>
    %dma_start3A_121 = tpu.memref_squeeze %dma_start3A_120 : memref<1x1x40960xf32, #tpu.memory_space<vmem>> -> memref<1x40960xf32, #tpu.memory_space<vmem>>
    tpu.enqueue_dma source(%dma_start3A_121 : memref<1x40960xf32, #tpu.memory_space<vmem>>) target(%dma_start3A_117 : memref<1x40960xf32, #tpu.memory_space<hbm>>) target_semaphore(%arg10 : memref<!tpu.dma_semaphore, #tpu.memory_space<semaphore_mem>>)
    %add3A_122 = arith.constant 31 : i32
    %add3A_123 = arith.addi %mul3A_2, %add3A_122 : i32
    %dma_wait3A_124 = arith.constant 1 : i32
    %dma_wait3A_125 = arith.constant 0 : i32
    %dma_wait3A_126 = arith.constant 0 : i32
    %dma_wait3A_127 = tpu.memref_slice %arg6[%dma_wait3A_124, %dma_wait3A_125, %dma_wait3A_126] : memref<2x1x40960xf32, #tpu.memory_space<vmem>> -> memref<1x1x40960xf32, #tpu.memory_space<vmem>>
    %dma_wait3A_128 = tpu.memref_squeeze %dma_wait3A_127 : memref<1x1x40960xf32, #tpu.memory_space<vmem>> -> memref<1x40960xf32, #tpu.memory_space<vmem>>
    %dma_wait3A_129 = arith.constant 0 : i32
    %dma_wait3A_130 = tpu.memref_slice %arg4[%add3A_123, %dma_wait3A_129] : memref<1024x40960xf32, #tpu.memory_space<hbm>> -> memref<1x40960xf32, #tpu.memory_space<hbm>>
    %dma_wait3A_131 = arith.constant 0 : i32
    %dma_wait3A_132 = tpu.memref_slice %arg4[%add3A_123, %dma_wait3A_131] : memref<1024x40960xf32, #tpu.memory_space<hbm>> -> memref<1x40960xf32, #tpu.memory_space<hbm>>
    %dma_wait3A_133 = arith.constant 0 : i32
    %dma_wait3A_134 = arith.constant 0 : i32
    %dma_wait3A_135 = tpu.memref_slice %arg6[%dma_wait3A_124, %dma_wait3A_133, %dma_wait3A_134] : memref<2x1x40960xf32, #tpu.memory_space<vmem>> -> memref<1x1x40960xf32, #tpu.memory_space<vmem>>
    %dma_wait3A_136 = tpu.memref_squeeze %dma_wait3A_135 : memref<1x1x40960xf32, #tpu.memory_space<vmem>> -> memref<1x40960xf32, #tpu.memory_space<vmem>>
    tpu.wait_dma2 semaphore(%arg10 : memref<!tpu.dma_semaphore, #tpu.memory_space<semaphore_mem>>) src(%dma_wait3A_136 : memref<1x40960xf32, #tpu.memory_space<vmem>>) dst(%dma_wait3A_132 : memref<1x40960xf32, #tpu.memory_space<hbm>>)
    return
  }
}

</mosaic_0001>

<sc_bundles>
// kernel: _gather.3.cloned.1.call-start
scs
__scs_entry_jumppad:
0x0: {  	(pc) =	sbr.rel $0x88, $3  }
0x1: {  	(tag) =	ssettag $0x0;
	lr =	simm.s32 $0x1  }
0x2: {  	[smem:$0x3F9F] =	sst lr;
	_ =	strace $0xD0000000  }
0x3: {  	_ = 	snop  }
0x4: {  	_ = 	snop  }
0x5: {  	_ = 	snop  }
0x6: {  	_ = 	snop  }
0x7: {  	_ = 	snop  }
__scs_overlays_trampoline_lowered:
0x8: {  	[smem:$0x3FAE] =	sst s0  }
0x9: {  	[smem:$0x3FAF] =	sst s1  }
0xa: {  	[smem:$0x3FB0] =	sst s2  }
0xb: {  	[smem:$0x3FB1] =	sst s3  }
0xc: {  	[smem:$0x3FB2] =	sst s4  }
0xd: {  	[smem:$0x3FB3] =	sst s5  }
0xe: {  	[smem:$0x3FB4] =	sst s6  }
0xf: {  	[smem:$0x3FB5] =	sst s7  }
0x10: {  	[smem:$0x3FB6] =	sst s8  }
0x11: {  	[smem:$0x3FB7] =	sst s9;
	s0 =	simm.s32 @!p0 $0x0  }
0x12: {  	s1 =	sld [smem:$0x3F9D];
	s0 =	simm.s32 @p0 $0x1  }
0x13: {  	[smem:$0x3FB8] =	sst s0;
	s0 =	simm.s32 @!p1 $0x0  }
0x14: {  	s2 =	sld [smem:$0x3F9C];
	s0 =	simm.s32 @p1 $0x1  }
0x15: {  	[smem:$0x3FB9] =	sst s0;
	s0 =	simm.s32 @!p2 $0x0  }
0x16: {  	s3 =	sld [smem:$0x3FDB];
	s0 =	simm.s32 @p2 $0x1  }
0x17: {  	s4 =	simm.s32 $0x1BF5;
	[smem:$0x3FBB] =	sst s0  }
0x18: {  	s0 =	sld [smem:$0x3F9E];
	_ =	swait.ge [sflag:s4], $0x0  }
0x19: {  	s7 =	sld [smem:$0x3F9F]  }
0x1a: {  	s8 =	sadd.s32 $0xFFFFE003, lr  }
0x1b: {  	s9 =	sadd.s32 $0xFFFFFEF7, lr;
	s5 =	simm.s32 $0xFFFFFFFF;
	p2 =	slt.u32 s8, $0xFFFFF086  }
0x1c: {  	p1 =	slt.u32 s9, $0xF7A;
	s5 =	simm.s32 @!p2 $0x0  }
0x1d: {  	s5 =	simm.s32 @p1 $0x1;
	p0 =	seq.s32 s7, s2  }
0x1e: {  	s7 =	smul.u32 @!p0 $0xF7A, s2;
	p2 =	seq.s32 @!p0 s5, $0x0  }
0x1f: {  	s9 =	smul.u32 $0xF7A, s1;
	s8 =	simm.s32 @!p0 $0x1BF5;
	p2 =	por !p2, p0  }
0x20: {  	[sflag:s8] =	ssyncset.s32 @!p0 $0xFFFFF086;
	s6 =	sadd.s32 @!p0 s3, s7;
	s7 =	simm.s32 @!p0 $0x108  }
0x21: {  	s3 =	sadd.s32 s3, s9;
	s6 =	sadd.s32 @!p0 $0x88, s6;
	s7 =	simm.s32 @p2 $0x1082  }
0x22: {  	[simem:s7], [sflag:s8] =	dma.local @!p0 [hbm:s6], $0xF7A  }
0x23: {  	s9 =	sor.u32 $0xD0000000, s2;
	s6 =	simm.s32 $0x108;
	_ =	swait.ge @!p0 [sflag:s8], $0x0  }
0x24: {  	s3 =	sadd.s32 $0x88, s3;
	s6 =	simm.s32 @!p1 $0x1082;
	[sflag:s4] =	ssyncset.s32 $0xFFFFF086  }
0x25: {  	[simem:s6], [sflag:s4] =	dma.local [hbm:s3], $0xF7A  }
0x26: {  	[smem:$0x3F9F] =	sst s1;
	(tag) =	ssettag s2;
	_ =	strace s9  }
0x27: {  	s1 =	sld [smem:$0x3FAF]  }
0x28: {  	s2 =	sld [smem:$0x3FB0]  }
0x29: {  	s4 =	sld [smem:$0x3FB2]  }
0x2a: {  	p0 =	seq.s32 s5, $0x0;
	s5 =	sld [smem:$0x3FB3]  }
0x2b: {  	s6 =	sld [smem:$0x3FB4]  }
0x2c: {  	s7 =	sld [smem:$0x3FB5]  }
0x2d: {  	s3 =	simm.s32 $0x108;
	s8 =	sld [smem:$0x3FB6]  }
0x2e: {  	s3 =	simm.s32 @!p0 $0x1082;
	s9 =	sld [smem:$0x3FB7]  }
0x2f: {  	lr =	sadd.s32 s0, s3;
	s0 =	sld [smem:$0x3FAE]  }
0x30: {  	s3 =	sld [smem:$0x3FB1]  }
0x31: {  	[smem:$0x3FBA] =	sst s10  }
0x32: {  	s10 =	sld [smem:$0x3FB8];
	_ =	sdelay $0x3  }
0x33: {  	p0 =	seq.s32 s10, $0x1;
	s10 =	sld [smem:$0x3FBA];
	_ =	sdelay $0x3  }
0x34: {  	[smem:$0x3FBA] =	sst s10  }
0x35: {  	s10 =	sld [smem:$0x3FB9];
	_ =	sdelay $0x3  }
0x36: {  	p1 =	seq.s32 s10, $0x1;
	s10 =	sld [smem:$0x3FBA];
	_ =	sdelay $0x3  }
0x37: {  	[smem:$0x3FBA] =	sst s10  }
0x38: {  	s10 =	sld [smem:$0x3FBB]  }
0x39: {  	_ = 	snop;
	(pc) =	sbr.ind lr, $3  }
0x3a: {  	_ = 	snop  }
0x3b: {  	_ = 	snop  }
0x3c: {  	p2 =	seq.s32 s10, $0x1;
	s10 =	sld [smem:$0x3FBA]  }
0x3d: {  	_ =	shalt  }
0x3e: {  	_ =	shalt  }
0x3f: {  	_ =	shalt  }
0x40: {  	_ =	shalt  }
0x41: {  	_ =	shalt  }
0x42: {  	_ =	shalt  }
0x43: {  	_ =	shalt  }
0x44: {  	_ =	shalt  }
0x45: {  	_ =	shalt  }
0x46: {  	_ =	shalt  }
0x47: {  	_ =	shalt  }
0x48: {  	_ =	shalt  }
0x49: {  	_ =	shalt  }
0x4a: {  	_ =	shalt  }
0x4b: {  	_ =	shalt  }
0x4c: {  	_ =	shalt  }
0x4d: {  	_ =	shalt  }
0x4e: {  	_ =	shalt  }
0x4f: {  	_ =	shalt  }
0x50: {  	_ =	shalt  }
0x51: {  	_ =	shalt  }
0x52: {  	_ =	shalt  }
0x53: {  	_ =	shalt  }
0x54: {  	_ =	shalt  }
0x55: {  	_ =	shalt  }
0x56: {  	_ =	shalt  }
0x57: {  	_ =	shalt  }
0x58: {  	_ =	shalt  }
0x59: {  	_ =	shalt  }
0x5a: {  	_ =	shalt  }
0x5b: {  	_ =	shalt  }
0x5c: {  	_ =	shalt  }
0x5d: {  	_ =	shalt  }
0x5e: {  	_ =	shalt  }
0x5f: {  	_ =	shalt  }
0x60: {  	_ =	shalt  }
0x61: {  	_ =	shalt  }
0x62: {  	_ =	shalt  }
0x63: {  	_ =	shalt  }
0x64: {  	_ =	shalt  }
0x65: {  	_ =	shalt  }
0x66: {  	_ =	shalt  }
0x67: {  	_ =	shalt  }
0x68: {  	_ =	shalt  }
0x69: {  	_ =	shalt  }
0x6a: {  	_ =	shalt  }
0x6b: {  	_ =	shalt  }
0x6c: {  	_ =	shalt  }
0x6d: {  	_ =	shalt  }
0x6e: {  	_ =	shalt  }
0x6f: {  	_ =	shalt  }
0x70: {  	_ =	shalt  }
0x71: {  	_ =	shalt  }
0x72: {  	_ =	shalt  }
0x73: {  	_ =	shalt  }
0x74: {  	_ =	shalt  }
0x75: {  	_ =	shalt  }
0x76: {  	_ =	shalt  }
0x77: {  	_ =	shalt  }
0x78: {  	_ =	shalt  }
0x79: {  	_ =	shalt  }
0x7a: {  	_ =	shalt  }
0x7b: {  	_ =	shalt  }
0x7c: {  	_ =	shalt  }
0x7d: {  	_ =	shalt  }
0x7e: {  	_ =	shalt  }
0x7f: {  	_ =	shalt  }
0x80: {  	_ =	shalt  }
0x81: {  	_ =	shalt  }
0x82: {  	_ =	shalt  }
0x83: {  	_ =	shalt  }
0x84: {  	_ =	shalt  }
0x85: {  	_ =	shalt  }
0x86: {  	_ =	shalt  }
0x87: {  	_ =	shalt  }
.Lfunc_end0:
.L_simem_size_0:
called_computation_lowered:
.L_overlay_start_0:
0x88: {  	s2 =	sld [smem:$0x3FD9]  }
0x89: {  	s3 =	sld [smem:$0x3FFE];
	_ =	sdelay $0x1  }
0x8a: {  	s1 =	srdreg.scid  }
0x8b: {  	s0 =	sand.u32 $0x1, s1  }
0x8c: {  	s18 =	sshll.u32 s0, $0xA;
	s2 =	sadd.s32 s3, s2  }
0x8d: {  	s2 =	sadd.s32 s2, s18  }
0x8e: {  	[smem:$0x3FC6] =	sst s2  }
0x8f: {  	_ = 	snop  }
0x90: {  	s2 =	sld [smem:$0x3FC9]  }
0x91: {  	s19 =	sld [smem:$0x3FC8]  }
0x92: {  	s4 =	sld [smem:$0x3FD0];
	(tm) =	ssettm $0x1  }
0x93: {  	s5 =	sld [smem:$0x3FFB];
	_ =	sdelay $0x3  }
0x94: {  	_ =	strace s5  }
0x95: {  	s5 =	sld [smem:$0x3FFC];
	_ =	sdelay $0x3  }
0x96: {  	_ =	strace s5  }
0x97: {  	s5 =	sld [smem:$0x3FFD];
	_ =	sdelay $0x3  }
0x98: {  	_ =	strace s5  }
0x99: {  	_ =	strace $0x8FFFFFFF  }
0x9a: {  	s20 =	sld [smem:$0x3FDB];
	_ =	sdelay $0x1  }
0x9b: {  	s6 =	simm.s32 $_scs_section_size  }
0x9c: {  	s7 =	simm.s32 $_size__tile_overlayer_lowered;
	s8 =	simm.s32 $_tile_overlayer_lowered  }
0x9d: {  	s23 =	simm.s32 $0x1BFF;
	s22 =	sshll.u32 s8, $0x1;
	s5 =	sadd.s32 s6, s20  }
0x9e: {  	s9 =	simm.s32 $0x0;
	s21 =	sshll.u32 s7, $0x1;
	s7 =	sadd.s32 s22, s5  }
0x9f: {  	[timem:s9], [sflag:s23] =	dma.local [hbm:s7], s21  }
0xa0: {  	_ =	swait.ge [sflag:s23], s21  }
0xa1: {  	s6 =	ssub.s32 $0x0, s21;
	[sflag:s23] =	ssyncset.done $0x0  }
0xa2: {  	[sflag:s23] =	ssyncadd.s32 s6;
	_ =	sdelay $0x1  }
0xa3: {  	s24 =	simm.s32 $0x1B8B  }
0xa4: {  	_ =	swait.ge [sflag:s24], $0x1  }
0xa5: {  	[sflag:s24] =	ssyncset.done $0x0  }
0xa6: {  	s25 =	simm.s32 $0x1B8E;
	[sflag:s24] =	ssyncadd.s32 $0xFFFFFFFF  }
0xa7: {  	s26 =	simm.s32 $execute0_lowered;
	[smem:$0x3FD2] =	sst s25  }
0xa8: {  	s6 =	sshll.u32 s26, $0x1;
	_ =	strace $0x80000046;
	[dreg:$0x1] =	wrdreg $0xFFFFFFFF  }
0xa9: {  	s28 =	simm.s32 $_size_execute0_lowered;
	s5 =	sadd.s32 s5, s6;
	[dreg:$0x0] =	wrdreg $0x0  }
0xaa: {  	s6 =	sshll.u32 s28, $0x1;
	[dreg:$0x2] =	wrdreg s5  }
0xab: {  	[dreg:$0x3] =	wrdreg s6  }
0xac: {  	[dreg:$0x4] =	wrdreg $0xC0  }
0xad: {  	_ =	task [dreg:s9], $0x5FFFF  }
0xae: {  	[dreg:$0x1] =	wrdreg $0xFFFFFFFF  }
0xaf: {  	[dreg:$0x0] =	wrdreg $0x60  }
0xb0: {  	[dreg:$0x2] =	wrdreg s2  }
0xb1: {  	[dreg:$0x3] =	wrdreg s19  }
0xb2: {  	[dreg:$0x4] =	wrdreg s4  }
0xb3: {  	[dreg:$0x5] =	wrdreg $0x9  }
0xb4: {  	_ =	task.clear_ibuf [dreg:s9], $0x6FFFF;
	_ =	strace $0x90000046  }
0xb5: {  	s29 =	simm.s32 $0x9;
	_ =	strace $0x80000048  }
0xb6: {  	_ =	swait.ge [sflag:s29], $0x1  }
0xb7: {  	[sflag:s29] =	ssyncadd.s32 $0xFFFFFFFF  }
0xb8: {  	_ =	strace $0x90000048  }
0xb9: {  	_ =	sfence  }
0xba: {  	s30 =	sld [smem:$0x0];
	_ =	sdelay $0x2  }
0xbb: {  	s31 =	sshll.u32 s1, $0xD;
	s1 =	sshrl.u32 s1, $0x2  }
0xbc: {  	s3 =	sand.u32 $0x4000, s31;
	s1 =	sadd.s32 s1, s30  }
0xbd: {  	s0 =	sor.u32 s3, s0;
	s1 =	sshll.u32 s1, $0x11  }
0xbe: {  	s0 =	sor.u32 s1, s0  }
0xbf: {  	s0 =	sadd.s32 $0x8F2B, s0  }
0xc0: {  	[sflag:s0] =	ssyncadd.remote.s32 $0x1  }
0xc1: {  	_ =	sfence.sel $0xFFFF  }
0xc2: {  	[dreg:$0x0] =	wrdreg $0xFFFFFFFF;
	(pc) =	sbr.abs _section_cstart, $3  }
0xc3: {  	[dreg:$0x1] =	wrdreg $0xFFFFFFFF  }
0xc4: {  	_ =	task.clear_ibuf [dreg:s9], $0x2FFFF;
	_ =	strace $0x9FFFFFFF  }
0xc5: {  	(tm) =	ssettm $0x7FFFFFFF  }
tec
execute0_lowered:
.L_overlay_start_1:
0x0: {  	(tag) =	ssettag $0x1  }
0x1: {  	s1 =	rddreg [dreg:$0x0]  }
0x2: {  	s5 =	rddreg [dreg:$0x1]  }
0x3: {  	s2 =	srdreg.scid;
	s0 =	stileid.u32  }
0x4: {  	s3 =	rddreg [dreg:$0x2];
	s4 =	simm.s32 $0x0;
	s12 =	simm.s32 $0x400  }
0x5: {  	s13 =	simm.s32 $0x180;
	s14 =	simm.s32 $0xA180;
	s15 =	simm.s32 $0x1  }
0x6: {  	s16 =	simm.s32 $0x3;
	s17 =	simm.s32 $0x2;
	s18 =	simm.s32 $0x4  }
0x7: {  	s8 =	sand.u32 $0x1, s2;
	s6 =	sshll.u32 s0, $0x1;
	s2 =	rddreg [dreg:$0x3]  }
0x8: {  	s19 =	simm.s32 $0x0;
	[smem:$0x7FF] =	sst s4;
	s6 =	sor.u32 s8, s6  }
0x9: {  	s30 =	sshll.u32 s0, $0x6;
	s7 =	ssub.s32 $0x2, s8;
	s9 =	smul.u32 $0x140000, s6  }
0xa: {  	_ =	strace $0x80000047;
	s10 =	sshrl.u32 s7, $0x1;
	s11 =	smul.u32 $0x28000, s6  }
0xb: {  	s31 =	sshll.u32 s8, $0x5;
	s6 =	sshll.u32 s6, $0x5;
	s10 =	ssub.s32 s7, s10  }
0xc: {  	s5 =	sadd.s32 s5, s6;
	s29 =	sshrl.u32 s9, $0x3;
	s6 =	sadd.s32 s3, s11  }
0xd: {  	s8 =	smax.u32 s10, $0x1;
	s9 =	sor.u32 s31, s30;
	s7 =	sadd.s32 s3, s29  }
0xe: {  	s10 =	simm.s32 $0x5;
	s11 =	simm.s32 $0x80;
	s7 =	sadd.s32 $0x1E070, s7  }
.LBB2_1:
0xf: {  	[tilespmem:s4], [sflag:$0x5] =	stream.linear.gather [hbm4b:s5+s4], $0x110, $0x38;
	[tilespmem:$0x14180] =	vst v63  }
0x10: {  	_ =	swait.ge [sflag:s10], $0x110  }
0x11: {  	[sflag:s10] =	ssyncset.done $0x0  }
0x12: {  	[sflag:s10] =	ssyncadd.s32 $0xFFFFFEF0  }
0x13: {  	v0 =	vld [tilespmem:$0x0];
	_ =	sdelay $0x4  }
0x14: {  	(v2sf) =	vpush v0, $0x0;
	_ =	sdelay $0xe  }
0x15: {  	s20 =	spop (v2sf)  }
0x16: {  	s21 =	sshrl.u32 s20, $0x3  }
0x17: {  	s20 =	sshll.u32 s20, $0x7;
	s21 =	smul.u32 $0x50000, s21  }
0x18: {  	s20 =	sand.u32 $0x380, s20  }
0x19: {  	s20 =	sor.u32 s20, s21  }
0x1a: {  	s20 =	sshrl.u32 s20, $0x3  }
0x1b: {  	s20 =	sadd.s32 s1, s20  }
0x1c: {  	[tilespmem:s13], [sflag:$0x1] =	stream.strided.gather [hbm4b:s20+s11], $0xA000, s12, s11, $0x38;
	[tilespmem:$0x14180] =	vst v63  }
0x1d: {  	v61 =	vld [tilespmem:$0x8];
	_ =	sdelay $0x4  }
0x1e: {  	(v2sf) =	vpush v61, $0x0;
	_ =	sdelay $0xe  }
0x1f: {  	s22 =	spop (v2sf)  }
0x20: {  	s23 =	sshrl.u32 s22, $0x3  }
0x21: {  	s20 =	sshll.u32 s22, $0x7;
	s21 =	smul.u32 $0x50000, s23  }
0x22: {  	s20 =	sand.u32 $0x380, s20  }
0x23: {  	s20 =	sor.u32 s20, s21  }
0x24: {  	s20 =	sshrl.u32 s20, $0x3  }
0x25: {  	s20 =	sadd.s32 s1, s20  }
0x26: {  	[tilespmem:s14], [sflag:$0x2] =	stream.strided.gather [hbm4b:s20+s11], $0xA000, s12, s11, $0x38;
	[tilespmem:$0x14180] =	vst v63  }
0x27: {  	_ =	swait.ge [sflag:s15], $0xA000  }
0x28: {  	[sflag:s15] =	ssyncset.done $0x0  }
0x29: {  	[sflag:s15] =	ssyncadd.s32 $0xFFFF6000  }
0x2a: {  	[hbm4b:s6+s11] =	stream.strided.scatter [tilespmem:s13], [sflag:$0x3], $0xA000, s12, s11, $0x38;
	[tilespmem:$0x14180] =	vst v63  }
0x2b: {  	_ =	swait.ge [sflag:s16], $0xA000  }
0x2c: {  	[sflag:s16] =	ssyncset.done $0x0  }
0x2d: {  	s20 =	simm.s32 $0x18;
	[sflag:s16] =	ssyncadd.s32 $0xFFFF6000  }
0x2e: {  	v62 =	vld [tilespmem:s20+$0xFFFFFFF8];
	_ =	sdelay $0x4  }
0x2f: {  	(v2sf) =	vpush v62, $0x0;
	_ =	sdelay $0xe  }
0x30: {  	s24 =	spop (v2sf)  }
0x31: {  	s22 =	sshrl.u32 s24, $0x3  }
0x32: {  	s21 =	sshll.u32 s24, $0x7;
	s22 =	smul.u32 $0x50000, s22  }
0x33: {  	s25 =	sshrl.u32 s9, $0x3;
	s21 =	sand.u32 $0x380, s21  }
0x34: {  	s23 =	simm.s32 $0x0;
	s21 =	sor.u32 s21, s22;
	s22 =	smul.u32 $0x50000, s25  }
0x35: {  	s23 =	sand.u32 $0x300, s23;
	s21 =	sshrl.u32 s21, $0x3  }
0x36: {  	s21 =	sadd.s32 s1, s21;
	s26 =	sor.u32 s22, s23  }
0x37: {  	[tilespmem:s13], [sflag:$0x1] =	stream.strided.gather [hbm4b:s21+s11], $0xA000, s12, s11, $0x38;
	[tilespmem:$0x14180] =	vst v63  }
0x38: {  	s21 =	sor.u32 $0x80, s26;
	_ =	swait.ge [sflag:s17], $0xA000  }
0x39: {  	s21 =	sshrl.u32 s21, $0x3;
	[sflag:s17] =	ssyncset.done $0x0  }
0x3a: {  	s21 =	sadd.s32 s3, s21;
	[sflag:s17] =	ssyncadd.s32 $0xFFFF6000  }
0x3b: {  	[hbm4b:s21+s11] =	stream.strided.scatter [tilespmem:s14], [sflag:$0x4], $0xA000, s12, s11, $0x38;
	[tilespmem:$0x14180] =	vst v63  }
0x3c: {  	_ =	swait.ge [sflag:s18], $0xA000  }
0x3d: {  	[sflag:s18] =	ssyncset.done $0x0  }
0x3e: {  	[sflag:s18] =	ssyncadd.s32 $0xFFFF6000  }
0x3f: {  	v63 =	vld [tilespmem:s20+$0x0];
	_ =	sdelay $0x4  }
0x40: {  	(v2sf) =	vpush v63, $0x0;
	_ =	sdelay $0xe  }
0x41: {  	s28 =	spop (v2sf)  }
0x42: {  	s29 =	sshrl.u32 s28, $0x3  }
0x43: {  	s21 =	sshll.u32 s28, $0x7;
	s22 =	smul.u32 $0x50000, s29  }
0x44: {  	s30 =	sand.u32 $0x380, s21  }
0x45: {  	s21 =	sadd.s32 $0x2, s9;
	s22 =	sor.u32 s30, s22  }
0x46: {  	s31 =	simm.s32 $0x100;
	s24 =	sshrl.u32 s21, $0x3;
	s22 =	sshrl.u32 s22, $0x3  }
0x47: {  	s23 =	sand.u32 $0x300, s31;
	s24 =	smul.u32 $0x50000, s24;
	s22 =	sadd.s32 s1, s22  }
0x48: {  	[tilespmem:s14], [sflag:$0x2] =	stream.strided.gather [hbm4b:s22+s11], $0xA000, s12, s11, $0x38;
	[tilespmem:$0x14180] =	vst v63  }
0x49: {  	s23 =	sor.u32 s23, s24;
	_ =	swait.ge [sflag:s15], $0xA000  }
0x4a: {  	s22 =	simm.s32 $0x200;
	s23 =	sshrl.u32 s23, $0x3;
	[sflag:s15] =	ssyncset.done $0x0  }
.LBB2_2:
0x4b: {  	[sflag:s15] =	ssyncadd.s32 $0xFFFF6000  }
0x4c: {  	s24 =	sadd.s32 s3, s23;
	s20 =	sadd.s32 $0x10, s20;
	s23 =	smov.u32 s22  }
0x4d: {  	[hbm4b:s24+s11] =	stream.strided.scatter [tilespmem:s13], [sflag:$0x3], $0xA000, s12, s11, $0x38;
	[tilespmem:$0x14180] =	vst v63  }
0x4e: {  	p0 =	sne.s32 s22, $0xF00;
	s22 =	sadd.s32 $0x100, s22;
	_ =	swait.ge [sflag:s16], $0xA000  }
0x4f: {  	[sflag:s16] =	ssyncset.done $0x0  }
0x50: {  	[sflag:s16] =	ssyncadd.s32 $0xFFFF6000  }
0x51: {  	v0 =	vld [tilespmem:s20+$0xFFFFFFF8];
	_ =	sdelay $0x4  }
0x52: {  	(v2sf) =	vpush v0, $0x0;
	_ =	sdelay $0xe  }
0x53: {  	s24 =	spop (v2sf)  }
0x54: {  	s25 =	sshrl.u32 s24, $0x3;
	s24 =	sshll.u32 s24, $0x7  }
0x55: {  	s25 =	smul.u32 $0x50000, s25  }
0x56: {  	s24 =	sand.u32 $0x380, s24  }
0x57: {  	s24 =	sor.u32 s24, s25;
	s25 =	sshrl.u32 s21, $0x3  }
0x58: {  	s26 =	sadd.s32 $0xFFFFFF00, s23;
	s24 =	sshrl.u32 s24, $0x3;
	s25 =	smul.u32 $0x50000, s25  }
0x59: {  	s26 =	sand.u32 $0x300, s26;
	s24 =	sadd.s32 s1, s24  }
0x5a: {  	[tilespmem:s13], [sflag:$0x1] =	stream.strided.gather [hbm4b:s24+s11], $0xA000, s12, s11, $0x38;
	[tilespmem:$0x14180] =	vst v63  }
0x5b: {  	s24 =	sor.u32 s25, s26;
	_ =	swait.ge [sflag:s17], $0xA000  }
0x5c: {  	s24 =	sor.u32 $0x80, s24;
	[sflag:s17] =	ssyncset.done $0x0  }
0x5d: {  	s24 =	sshrl.u32 s24, $0x3;
	[sflag:s17] =	ssyncadd.s32 $0xFFFF6000  }
0x5e: {  	s24 =	sadd.s32 s3, s24  }
0x5f: {  	[hbm4b:s24+s11] =	stream.strided.scatter [tilespmem:s14], [sflag:$0x4], $0xA000, s12, s11, $0x38;
	[tilespmem:$0x14180] =	vst v63  }
0x60: {  	_ =	swait.ge [sflag:s18], $0xA000  }
0x61: {  	[sflag:s18] =	ssyncset.done $0x0  }
0x62: {  	[sflag:s18] =	ssyncadd.s32 $0xFFFF6000  }
0x63: {  	v0 =	vld [tilespmem:s20+$0x0];
	_ =	sdelay $0x4  }
0x64: {  	(v2sf) =	vpush v0, $0x0;
	_ =	sdelay $0xe  }
0x65: {  	s24 =	spop (v2sf)  }
0x66: {  	s25 =	sshrl.u32 s24, $0x3  }
0x67: {  	s24 =	sshll.u32 s24, $0x7;
	s25 =	smul.u32 $0x50000, s25  }
0x68: {  	s21 =	sadd.s32 $0x2, s21;
	s24 =	sand.u32 $0x380, s24  }
0x69: {  	s24 =	sor.u32 s24, s25;
	s25 =	sshrl.u32 s21, $0x3  }
0x6a: {  	s25 =	smul.u32 $0x50000, s25  }
.Ltmp0:
0x6b: {  	s24 =	sshrl.u32 s24, $0x3;
	(pc) =	sbr.rel @p0 .LBB2_2-.Ltmp0, $4  }
0x6c: {  	s23 =	sand.u32 $0x300, s23;
	s24 =	sadd.s32 s1, s24  }
0x6d: {  	[tilespmem:s14], [sflag:$0x2] =	stream.strided.gather [hbm4b:s24+s11], $0xA000, s12, s11, $0x38;
	[tilespmem:$0x14180] =	vst v63  }
0x6e: {  	s23 =	sor.u32 s23, s25;
	_ =	swait.ge [sflag:s15], $0xA000  }
0x6f: {  	s23 =	sshrl.u32 s23, $0x3;
	[sflag:s15] =	ssyncset.done $0x0  }
0x70: {  	[sflag:s15] =	ssyncadd.s32 $0xFFFF6000;
	s20 =	sadd.s32 s3, s23  }
0x71: {  	[hbm4b:s20+s11] =	stream.strided.scatter [tilespmem:s13], [sflag:$0x3], $0xA000, s12, s11, $0x38;
	[tilespmem:$0x14180] =	vst v63  }
0x72: {  	_ =	swait.ge [sflag:s16], $0xA000  }
0x73: {  	[sflag:s16] =	ssyncset.done $0x0  }
0x74: {  	[sflag:s16] =	ssyncadd.s32 $0xFFFF6000  }
0x75: {  	s19 =	sadd.s32 $0x1, s19;
	_ =	swait.ge [sflag:s17], $0xA000  }
0x76: {  	p0 =	sne.s32 s19, s8;
	[sflag:s17] =	ssyncset.done $0x0  }
.Ltmp1:
0x77: {  	[sflag:s17] =	ssyncadd.s32 $0xFFFF6000;
	(pc) =	sbr.rel @p0 .LBB2_1-.Ltmp1, $4  }
0x78: {  	[hbm4b:s7+s11] =	stream.strided.scatter [tilespmem:s14], [sflag:$0x4], $0xA000, s12, s11, $0x38;
	[tilespmem:$0x14180] =	vst v63  }
0x79: {  	_ =	swait.ge [sflag:s18], $0xA000  }
0x7a: {  	[sflag:s18] =	ssyncset.done $0x0  }
0x7b: {  	[sflag:s18] =	ssyncadd.s32 $0xFFFF6000  }
0x7c: {  	_ =	sfence.sel $0x180000  }
0x7d: {  	[bflag:$0x0] =	sbarrier.arrive $0xFFFF  }
0x7e: {  	p0 =	sne.s32 s0, $0x0;
	_ =	strace $0x90000047  }
0x7f: {  	s0 =	sadd.s32 @!p0 $0x100000, s2;
	[bflag:$0x2] =	sbarrier.arrive $0xFFFF  }
0x80: {  	[sflag:s0] =	ssyncadd.tile.s32 @!p0 $0x1;
	_ =	shalt  }
.Lfunc_end2:
_tile_overlayer_lowered:
.L_overlay_start_2:
0x81: {  	(tag) =	ssettag $0x2  }
0x82: {  	s0 =	rddreg [dreg:$0x0];
	s2 =	stileid.u32  }
0x83: {  	s1 =	rddreg [dreg:$0x1];
	p0 =	sne.s32 s2, $0x0  }
0x84: {  	s3 =	rddreg [dreg:$0x2];
	[bflag:$0x3] =	sbarrier.arrive $0xFFFF;
	s2 =	simm.s32 @!p0 $0x1C05  }
0x85: {  	[timem:s3], [sflag:s2] =	dma.local @!p0 [hbm:s0], s1  }
0x86: {  	s0 =	simm.s32 @!p0 $0x5  }
0x87: {  	_ =	swait.ge @!p0 [sflag:s0], s1  }
0x88: {  	s1 =	ssub.s32 @!p0 $0x0, s1;
	[sflag:s0] =	ssyncset.done @!p0 $0x0  }
0x89: {  	[sflag:s0] =	ssyncadd.s32 @!p0 s1  }
0x8a: {  	[bflag:$0x3] =	sbarrier.arrive $0xFFFF  }
0x8b: {  	_ =	shalt  }

</sc_bundles>
